<compile_context>
chip_gen: v7x
topology: tpu7x:2x2x1
jax: 0.10.2.dev20260603
libtpu: 0.0.44.dev20260713+nightly
codegen_flags: <defaults>
</compile_context>

<pallas_src>
import functools
from itertools import combinations

import jax
import jax.numpy as jnp
from jax import lax
from jax.experimental import pallas as pl
from jax.experimental.pallas import tpu as pltpu
from jax.experimental.pallas import tpu_sc as plsc

_NUM_CLASSES = 7
_MAX_SET_SIZE = 2


def _class_members():
    mapping = [()]
    for set_size in range(1, _MAX_SET_SIZE + 1):
        for speakers in combinations(range(_NUM_CLASSES), set_size):
            mapping.append(speakers)
    members = [[] for _ in range(_NUM_CLASSES)]
    for k, speakers in enumerate(mapping):
        for v in speakers:
            members[v].append(k)
    return members, len(mapping)


def kernel(powerset, mapping_matrix):
    B, F, K = powerset.shape
    C = mapping_matrix.shape[1]
    N = B * F
    members, npc = _class_members()
    assert npc == K

    info = plsc.get_sparse_core_info()
    NW = info.num_cores * info.num_subcores
    L = info.num_lanes
    RPW = N // NW
    GROUPS = RPW // L

    x_flat = powerset.reshape(N * K)
    mesh = plsc.VectorSubcoreMesh(core_axis_name="c", subcore_axis_name="s")

    @functools.partial(
        pl.kernel,
        mesh=mesh,
        out_type=jax.ShapeDtypeStruct((N * C,), jnp.float32),
        compiler_params=pltpu.CompilerParams(needs_layout_passes=False),
        scratch_types=[
            pltpu.VMEM((RPW * K,), jnp.float32),
            pltpu.VMEM((RPW * C,), jnp.float32),
        ],
    )
    def _powerset_kernel(x_hbm, out_hbm, xv, ov):
        wid = lax.axis_index("s") * info.num_cores + lax.axis_index("c")
        pltpu.sync_copy(x_hbm.at[pl.ds(wid * (RPW * K), RPW * K)], xv)

        lane = lax.iota(jnp.int32, 16)
        lane_k = lane * K
        lane_c = lane * C

        def body(i, carry):
            in_base = i * (L * K)
            out_base = i * (L * C)
            e = []
            for k in range(K):
                v = plsc.load_gather(xv, [lane_k + (in_base + k)])
                e.append(jnp.exp(v))
            acc = e
            while len(acc) > 1:
                acc = [acc[j] + acc[j + 1] for j in range(0, len(acc) - 1, 2)] \
                      + ([acc[-1]] if len(acc) % 2 else [])
            rinv = 1.0 / acc[0]
            for c in range(C):
                s = e[members[c][0]]
                for m in members[c][1:]:
                    s = s + e[m]
                plsc.store_scatter(ov, [lane_c + (out_base + c)], s * rinv)
            return carry

        lax.fori_loop(0, GROUPS, body, 0)
        pltpu.sync_copy(ov, out_hbm.at[pl.ds(wid * (RPW * C), RPW * C)])

    out = _powerset_kernel(x_flat)
    return out.reshape(B, F, C)

# --- scband reference (transcript-rebuilt; emitter-appended) ---
"""Pipeline reference for scband-powerset-8469675507714 (READ-ONLY COPY).

The authoritative reference and input builder live on the scoring server;
editing this copy changes nothing except your own understanding.
"""

import jax, jax.numpy as jnp
import numpy as np
from itertools import combinations

NUM_CLASSES = 7
MAX_SET_SIZE = 2

def _build_mapping_matrix():
    mapping = [()]
    for set_size in range(1, MAX_SET_SIZE + 1):
        for speakers in combinations(range(NUM_CLASSES), set_size):
            mapping.append(speakers)
    num_powerset_classes = len(mapping)
    mat = np.zeros((num_powerset_classes, NUM_CLASSES), dtype=np.float32)
    for k, val in enumerate(mapping):
        for v in val:
            mat[k, v] = 1.0
    return mat


def setup_inputs(seed: int = 0) -> dict:
    key = jax.random.key(seed)
    mapping_matrix = jnp.asarray(_build_mapping_matrix())  # (29, 7)
    num_powerset_classes = mapping_matrix.shape[0]
    powerset = jax.random.normal(key, (32, 2048, num_powerset_classes), dtype=jnp.float32)
    return {"powerset": powerset, "mapping_matrix": mapping_matrix}


def reference(powerset, mapping_matrix):
    # Faithful translation of Powerset.to_multilabel for float (probabilistic) input:
    # input is logits over powerset classes -> softmax -> matmul with 0/1 mapping matrix
    num_powerset_classes = mapping_matrix.shape[0]
    if powerset.shape[-1] == num_powerset_classes:
        powerset_probs = jax.nn.softmax(powerset, axis=-1)
    else:
        powerset_probs = powerset
    multilabel = jnp.matmul(powerset_probs, mapping_matrix)  # (B, F, num_classes)
    return multilabel

if __name__ == "__main__":
    import jax
    _d = setup_inputs()
    print(jax.jit(kernel)(*tuple(_d.values())))

</pallas_src>

<mosaic_0001>
#map = affine_map<(d0, d1) -> (0)>
module attributes {stable_mosaic.version = 14 : i64} {
  func.func @_powerset_kernel(%arg0: i32, %arg1: i32, %arg2: memref<1900544xf32, #tpu.memory_space<hbm>>, %arg3: memref<458752xf32, #tpu.memory_space<hbm>>, %arg4: memref<59392xf32, #tpu.memory_space<vmem>>, %arg5: memref<14336xf32, #tpu.memory_space<vmem>>) attributes {dimension_semantics = [#tpu.dimension_semantics<core_parallel>, #tpu.dimension_semantics<subcore_parallel>], iteration_bounds = array<i64: 2, 16>, scalar_prefetch = 0 : i64, scratch_operands = 2 : i64, tpu.core_type = #tpu.core_type<sc_vector_subcore>, window_params = [{transform_indices = #map}, {transform_indices = #map}]} {
    %mul3A = arith.constant 2 : i32
    %mul3A_0 = arith.muli %arg1, %mul3A : i32
    %add3A = arith.addi %mul3A_0, %arg0 : i32
    %mul3A_1 = arith.constant 59392 : i32
    %mul3A_2 = arith.muli %add3A, %mul3A_1 : i32
    "tpu.region"() ({
      %run_scoped3A = tpu.sem_alloc : memref<!tpu.dma_semaphore, #tpu.memory_space<semaphore_mem>>
      %dma_start3A = tpu.memref_slice %arg2[%mul3A_2] : memref<1900544xf32, #tpu.memory_space<hbm>> -> memref<59392xf32, #tpu.memory_space<hbm>>
      %dma_start3A_16 = tpu.memref_slice %arg2[%mul3A_2] : memref<1900544xf32, #tpu.memory_space<hbm>> -> memref<59392xf32, #tpu.memory_space<hbm>>
      tpu.enqueue_dma source(%dma_start3A_16 : memref<59392xf32, #tpu.memory_space<hbm>>) target(%arg4 : memref<59392xf32, #tpu.memory_space<vmem>>) target_semaphore(%run_scoped3A : memref<!tpu.dma_semaphore, #tpu.memory_space<semaphore_mem>>)
      %dma_wait3A = tpu.memref_slice %arg2[%mul3A_2] : memref<1900544xf32, #tpu.memory_space<hbm>> -> memref<59392xf32, #tpu.memory_space<hbm>>
      %dma_wait3A_17 = tpu.memref_slice %arg2[%mul3A_2] : memref<1900544xf32, #tpu.memory_space<hbm>> -> memref<59392xf32, #tpu.memory_space<hbm>>
      tpu.wait_dma2 semaphore(%run_scoped3A : memref<!tpu.dma_semaphore, #tpu.memory_space<semaphore_mem>>) src(%dma_wait3A_17 : memref<59392xf32, #tpu.memory_space<hbm>>) dst(%arg4 : memref<59392xf32, #tpu.memory_space<vmem>>)
      tpu.yield
    }) : () -> ()
    %iota3A = tpu.iota {dimensions = array<i32: 0>} : vector<16xi32>
    %mul3A_3 = arith.constant 29 : i32
    %mul3A_4 = vector.broadcast %mul3A_3 : i32 to vector<16xi32>
    %mul3A_5 = arith.muli %iota3A, %mul3A_4 : vector<16xi32>
    %mul3A_6 = arith.constant 7 : i32
    %mul3A_7 = vector.broadcast %mul3A_6 : i32 to vector<16xi32>
    %mul3A_8 = arith.muli %iota3A, %mul3A_7 : vector<16xi32>
    %scan3A = arith.constant 0 : i32
    %scan3A_9 = arith.constant 0 : i32
    %scan3A_10 = arith.constant 128 : i32
    %scan3A_11 = arith.addi %scan3A_9, %scan3A_10 : i32
    %scan3A_12 = arith.constant 1 : i32
    scf.for %scan3A_16 = %scan3A_9 to %scan3A_11 step %scan3A_12  : i32 {
      %mul3A_17 = arith.constant 464 : i32
      %mul3A_18 = arith.muli %scan3A_16, %mul3A_17 : i32
      %mul3A_19 = arith.constant 112 : i32
      %mul3A_20 = arith.muli %scan3A_16, %mul3A_19 : i32
      %add3A_21 = arith.constant 0 : i32
      %add3A_22 = arith.addi %mul3A_18, %add3A_21 : i32
      %add3A_23 = vector.broadcast %add3A_22 : i32 to vector<16xi32>
      %add3A_24 = arith.addi %mul3A_5, %add3A_23 : vector<16xi32>
      %gather3A = tpu.vector_load_idx %arg4[%add3A_24] : memref<59392xf32, #tpu.memory_space<vmem>>[vector<16xi32>], vector<16xf32>,
      %exp3A = math.exp %gather3A : vector<16xf32>
      %add3A_25 = arith.constant 1 : i32
      %add3A_26 = arith.addi %mul3A_18, %add3A_25 : i32
      %add3A_27 = vector.broadcast %add3A_26 : i32 to vector<16xi32>
      %add3A_28 = arith.addi %mul3A_5, %add3A_27 : vector<16xi32>
      %gather3A_29 = tpu.vector_load_idx %arg4[%add3A_28] : memref<59392xf32, #tpu.memory_space<vmem>>[vector<16xi32>], vector<16xf32>,
      %exp3A_30 = math.exp %gather3A_29 : vector<16xf32>
      %add3A_31 = arith.constant 2 : i32
      %add3A_32 = arith.addi %mul3A_18, %add3A_31 : i32
      %add3A_33 = vector.broadcast %add3A_32 : i32 to vector<16xi32>
      %add3A_34 = arith.addi %mul3A_5, %add3A_33 : vector<16xi32>
      %gather3A_35 = tpu.vector_load_idx %arg4[%add3A_34] : memref<59392xf32, #tpu.memory_space<vmem>>[vector<16xi32>], vector<16xf32>,
      %exp3A_36 = math.exp %gather3A_35 : vector<16xf32>
      %add3A_37 = arith.constant 3 : i32
      %add3A_38 = arith.addi %mul3A_18, %add3A_37 : i32
      %add3A_39 = vector.broadcast %add3A_38 : i32 to vector<16xi32>
      %add3A_40 = arith.addi %mul3A_5, %add3A_39 : vector<16xi32>
      %gather3A_41 = tpu.vector_load_idx %arg4[%add3A_40] : memref<59392xf32, #tpu.memory_space<vmem>>[vector<16xi32>], vector<16xf32>,
      %exp3A_42 = math.exp %gather3A_41 : vector<16xf32>
      %add3A_43 = arith.constant 4 : i32
      %add3A_44 = arith.addi %mul3A_18, %add3A_43 : i32
      %add3A_45 = vector.broadcast %add3A_44 : i32 to vector<16xi32>
      %add3A_46 = arith.addi %mul3A_5, %add3A_45 : vector<16xi32>
      %gather3A_47 = tpu.vector_load_idx %arg4[%add3A_46] : memref<59392xf32, #tpu.memory_space<vmem>>[vector<16xi32>], vector<16xf32>,
      %exp3A_48 = math.exp %gather3A_47 : vector<16xf32>
      %add3A_49 = arith.constant 5 : i32
      %add3A_50 = arith.addi %mul3A_18, %add3A_49 : i32
      %add3A_51 = vector.broadcast %add3A_50 : i32 to vector<16xi32>
      %add3A_52 = arith.addi %mul3A_5, %add3A_51 : vector<16xi32>
      %gather3A_53 = tpu.vector_load_idx %arg4[%add3A_52] : memref<59392xf32, #tpu.memory_space<vmem>>[vector<16xi32>], vector<16xf32>,
      %exp3A_54 = math.exp %gather3A_53 : vector<16xf32>
      %add3A_55 = arith.constant 6 : i32
      %add3A_56 = arith.addi %mul3A_18, %add3A_55 : i32
      %add3A_57 = vector.broadcast %add3A_56 : i32 to vector<16xi32>
      %add3A_58 = arith.addi %mul3A_5, %add3A_57 : vector<16xi32>
      %gather3A_59 = tpu.vector_load_idx %arg4[%add3A_58] : memref<59392xf32, #tpu.memory_space<vmem>>[vector<16xi32>], vector<16xf32>,
      %exp3A_60 = math.exp %gather3A_59 : vector<16xf32>
      %add3A_61 = arith.constant 7 : i32
      %add3A_62 = arith.addi %mul3A_18, %add3A_61 : i32
      %add3A_63 = vector.broadcast %add3A_62 : i32 to vector<16xi32>
      %add3A_64 = arith.addi %mul3A_5, %add3A_63 : vector<16xi32>
      %gather3A_65 = tpu.vector_load_idx %arg4[%add3A_64] : memref<59392xf32, #tpu.memory_space<vmem>>[vector<16xi32>], vector<16xf32>,
      %exp3A_66 = math.exp %gather3A_65 : vector<16xf32>
      %add3A_67 = arith.constant 8 : i32
      %add3A_68 = arith.addi %mul3A_18, %add3A_67 : i32
      %add3A_69 = vector.broadcast %add3A_68 : i32 to vector<16xi32>
      %add3A_70 = arith.addi %mul3A_5, %add3A_69 : vector<16xi32>
      %gather3A_71 = tpu.vector_load_idx %arg4[%add3A_70] : memref<59392xf32, #tpu.memory_space<vmem>>[vector<16xi32>], vector<16xf32>,
      %exp3A_72 = math.exp %gather3A_71 : vector<16xf32>
      %add3A_73 = arith.constant 9 : i32
      %add3A_74 = arith.addi %mul3A_18, %add3A_73 : i32
      %add3A_75 = vector.broadcast %add3A_74 : i32 to vector<16xi32>
      %add3A_76 = arith.addi %mul3A_5, %add3A_75 : vector<16xi32>
      %gather3A_77 = tpu.vector_load_idx %arg4[%add3A_76] : memref<59392xf32, #tpu.memory_space<vmem>>[vector<16xi32>], vector<16xf32>,
      %exp3A_78 = math.exp %gather3A_77 : vector<16xf32>
      %add3A_79 = arith.constant 10 : i32
      %add3A_80 = arith.addi %mul3A_18, %add3A_79 : i32
      %add3A_81 = vector.broadcast %add3A_80 : i32 to vector<16xi32>
      %add3A_82 = arith.addi %mul3A_5, %add3A_81 : vector<16xi32>
      %gather3A_83 = tpu.vector_load_idx %arg4[%add3A_82] : memref<59392xf32, #tpu.memory_space<vmem>>[vector<16xi32>], vector<16xf32>,
      %exp3A_84 = math.exp %gather3A_83 : vector<16xf32>
      %add3A_85 = arith.constant 11 : i32
      %add3A_86 = arith.addi %mul3A_18, %add3A_85 : i32
      %add3A_87 = vector.broadcast %add3A_86 : i32 to vector<16xi32>
      %add3A_88 = arith.addi %mul3A_5, %add3A_87 : vector<16xi32>
      %gather3A_89 = tpu.vector_load_idx %arg4[%add3A_88] : memref<59392xf32, #tpu.memory_space<vmem>>[vector<16xi32>], vector<16xf32>,
      %exp3A_90 = math.exp %gather3A_89 : vector<16xf32>
      %add3A_91 = arith.constant 12 : i32
      %add3A_92 = arith.addi %mul3A_18, %add3A_91 : i32
      %add3A_93 = vector.broadcast %add3A_92 : i32 to vector<16xi32>
      %add3A_94 = arith.addi %mul3A_5, %add3A_93 : vector<16xi32>
      %gather3A_95 = tpu.vector_load_idx %arg4[%add3A_94] : memref<59392xf32, #tpu.memory_space<vmem>>[vector<16xi32>], vector<16xf32>,
      %exp3A_96 = math.exp %gather3A_95 : vector<16xf32>
      %add3A_97 = arith.constant 13 : i32
      %add3A_98 = arith.addi %mul3A_18, %add3A_97 : i32
      %add3A_99 = vector.broadcast %add3A_98 : i32 to vector<16xi32>
      %add3A_100 = arith.addi %mul3A_5, %add3A_99 : vector<16xi32>
      %gather3A_101 = tpu.vector_load_idx %arg4[%add3A_100] : memref<59392xf32, #tpu.memory_space<vmem>>[vector<16xi32>], vector<16xf32>,
      %exp3A_102 = math.exp %gather3A_101 : vector<16xf32>
      %add3A_103 = arith.constant 14 : i32
      %add3A_104 = arith.addi %mul3A_18, %add3A_103 : i32
      %add3A_105 = vector.broadcast %add3A_104 : i32 to vector<16xi32>
      %add3A_106 = arith.addi %mul3A_5, %add3A_105 : vector<16xi32>
      %gather3A_107 = tpu.vector_load_idx %arg4[%add3A_106] : memref<59392xf32, #tpu.memory_space<vmem>>[vector<16xi32>], vector<16xf32>,
      %exp3A_108 = math.exp %gather3A_107 : vector<16xf32>
      %add3A_109 = arith.constant 15 : i32
      %add3A_110 = arith.addi %mul3A_18, %add3A_109 : i32
      %add3A_111 = vector.broadcast %add3A_110 : i32 to vector<16xi32>
      %add3A_112 = arith.addi %mul3A_5, %add3A_111 : vector<16xi32>
      %gather3A_113 = tpu.vector_load_idx %arg4[%add3A_112] : memref<59392xf32, #tpu.memory_space<vmem>>[vector<16xi32>], vector<16xf32>,
      %exp3A_114 = math.exp %gather3A_113 : vector<16xf32>
      %add3A_115 = arith.constant 16 : i32
      %add3A_116 = arith.addi %mul3A_18, %add3A_115 : i32
      %add3A_117 = vector.broadcast %add3A_116 : i32 to vector<16xi32>
      %add3A_118 = arith.addi %mul3A_5, %add3A_117 : vector<16xi32>
      %gather3A_119 = tpu.vector_load_idx %arg4[%add3A_118] : memref<59392xf32, #tpu.memory_space<vmem>>[vector<16xi32>], vector<16xf32>,
      %exp3A_120 = math.exp %gather3A_119 : vector<16xf32>
      %add3A_121 = arith.constant 17 : i32
      %add3A_122 = arith.addi %mul3A_18, %add3A_121 : i32
      %add3A_123 = vector.broadcast %add3A_122 : i32 to vector<16xi32>
      %add3A_124 = arith.addi %mul3A_5, %add3A_123 : vector<16xi32>
      %gather3A_125 = tpu.vector_load_idx %arg4[%add3A_124] : memref<59392xf32, #tpu.memory_space<vmem>>[vector<16xi32>], vector<16xf32>,
      %exp3A_126 = math.exp %gather3A_125 : vector<16xf32>
      %add3A_127 = arith.constant 18 : i32
      %add3A_128 = arith.addi %mul3A_18, %add3A_127 : i32
      %add3A_129 = vector.broadcast %add3A_128 : i32 to vector<16xi32>
      %add3A_130 = arith.addi %mul3A_5, %add3A_129 : vector<16xi32>
      %gather3A_131 = tpu.vector_load_idx %arg4[%add3A_130] : memref<59392xf32, #tpu.memory_space<vmem>>[vector<16xi32>], vector<16xf32>,
      %exp3A_132 = math.exp %gather3A_131 : vector<16xf32>
      %add3A_133 = arith.constant 19 : i32
      %add3A_134 = arith.addi %mul3A_18, %add3A_133 : i32
      %add3A_135 = vector.broadcast %add3A_134 : i32 to vector<16xi32>
      %add3A_136 = arith.addi %mul3A_5, %add3A_135 : vector<16xi32>
      %gather3A_137 = tpu.vector_load_idx %arg4[%add3A_136] : memref<59392xf32, #tpu.memory_space<vmem>>[vector<16xi32>], vector<16xf32>,
      %exp3A_138 = math.exp %gather3A_137 : vector<16xf32>
      %add3A_139 = arith.constant 20 : i32
      %add3A_140 = arith.addi %mul3A_18, %add3A_139 : i32
      %add3A_141 = vector.broadcast %add3A_140 : i32 to vector<16xi32>
      %add3A_142 = arith.addi %mul3A_5, %add3A_141 : vector<16xi32>
      %gather3A_143 = tpu.vector_load_idx %arg4[%add3A_142] : memref<59392xf32, #tpu.memory_space<vmem>>[vector<16xi32>], vector<16xf32>,
      %exp3A_144 = math.exp %gather3A_143 : vector<16xf32>
      %add3A_145 = arith.constant 21 : i32
      %add3A_146 = arith.addi %mul3A_18, %add3A_145 : i32
      %add3A_147 = vector.broadcast %add3A_146 : i32 to vector<16xi32>
      %add3A_148 = arith.addi %mul3A_5, %add3A_147 : vector<16xi32>
      %gather3A_149 = tpu.vector_load_idx %arg4[%add3A_148] : memref<59392xf32, #tpu.memory_space<vmem>>[vector<16xi32>], vector<16xf32>,
      %exp3A_150 = math.exp %gather3A_149 : vector<16xf32>
      %add3A_151 = arith.constant 22 : i32
      %add3A_152 = arith.addi %mul3A_18, %add3A_151 : i32
      %add3A_153 = vector.broadcast %add3A_152 : i32 to vector<16xi32>
      %add3A_154 = arith.addi %mul3A_5, %add3A_153 : vector<16xi32>
      %gather3A_155 = tpu.vector_load_idx %arg4[%add3A_154] : memref<59392xf32, #tpu.memory_space<vmem>>[vector<16xi32>], vector<16xf32>,
      %exp3A_156 = math.exp %gather3A_155 : vector<16xf32>
      %add3A_157 = arith.constant 23 : i32
      %add3A_158 = arith.addi %mul3A_18, %add3A_157 : i32
      %add3A_159 = vector.broadcast %add3A_158 : i32 to vector<16xi32>
      %add3A_160 = arith.addi %mul3A_5, %add3A_159 : vector<16xi32>
      %gather3A_161 = tpu.vector_load_idx %arg4[%add3A_160] : memref<59392xf32, #tpu.memory_space<vmem>>[vector<16xi32>], vector<16xf32>,
      %exp3A_162 = math.exp %gather3A_161 : vector<16xf32>
      %add3A_163 = arith.constant 24 : i32
      %add3A_164 = arith.addi %mul3A_18, %add3A_163 : i32
      %add3A_165 = vector.broadcast %add3A_164 : i32 to vector<16xi32>
      %add3A_166 = arith.addi %mul3A_5, %add3A_165 : vector<16xi32>
      %gather3A_167 = tpu.vector_load_idx %arg4[%add3A_166] : memref<59392xf32, #tpu.memory_space<vmem>>[vector<16xi32>], vector<16xf32>,
      %exp3A_168 = math.exp %gather3A_167 : vector<16xf32>
      %add3A_169 = arith.constant 25 : i32
      %add3A_170 = arith.addi %mul3A_18, %add3A_169 : i32
      %add3A_171 = vector.broadcast %add3A_170 : i32 to vector<16xi32>
      %add3A_172 = arith.addi %mul3A_5, %add3A_171 : vector<16xi32>
      %gather3A_173 = tpu.vector_load_idx %arg4[%add3A_172] : memref<59392xf32, #tpu.memory_space<vmem>>[vector<16xi32>], vector<16xf32>,
      %exp3A_174 = math.exp %gather3A_173 : vector<16xf32>
      %add3A_175 = arith.constant 26 : i32
      %add3A_176 = arith.addi %mul3A_18, %add3A_175 : i32
      %add3A_177 = vector.broadcast %add3A_176 : i32 to vector<16xi32>
      %add3A_178 = arith.addi %mul3A_5, %add3A_177 : vector<16xi32>
      %gather3A_179 = tpu.vector_load_idx %arg4[%add3A_178] : memref<59392xf32, #tpu.memory_space<vmem>>[vector<16xi32>], vector<16xf32>,
      %exp3A_180 = math.exp %gather3A_179 : vector<16xf32>
      %add3A_181 = arith.constant 27 : i32
      %add3A_182 = arith.addi %mul3A_18, %add3A_181 : i32
      %add3A_183 = vector.broadcast %add3A_182 : i32 to vector<16xi32>
      %add3A_184 = arith.addi %mul3A_5, %add3A_183 : vector<16xi32>
      %gather3A_185 = tpu.vector_load_idx %arg4[%add3A_184] : memref<59392xf32, #tpu.memory_space<vmem>>[vector<16xi32>], vector<16xf32>,
      %exp3A_186 = math.exp %gather3A_185 : vector<16xf32>
      %add3A_187 = arith.constant 28 : i32
      %add3A_188 = arith.addi %mul3A_18, %add3A_187 : i32
      %add3A_189 = vector.broadcast %add3A_188 : i32 to vector<16xi32>
      %add3A_190 = arith.addi %mul3A_5, %add3A_189 : vector<16xi32>
      %gather3A_191 = tpu.vector_load_idx %arg4[%add3A_190] : memref<59392xf32, #tpu.memory_space<vmem>>[vector<16xi32>], vector<16xf32>,
      %exp3A_192 = math.exp %gather3A_191 : vector<16xf32>
      %add3A_193 = arith.addf %exp3A, %exp3A_30 : vector<16xf32>
      %add3A_194 = arith.addf %exp3A_36, %exp3A_42 : vector<16xf32>
      %add3A_195 = arith.addf %exp3A_48, %exp3A_54 : vector<16xf32>
      %add3A_196 = arith.addf %exp3A_60, %exp3A_66 : vector<16xf32>
      %add3A_197 = arith.addf %exp3A_72, %exp3A_78 : vector<16xf32>
      %add3A_198 = arith.addf %exp3A_84, %exp3A_90 : vector<16xf32>
      %add3A_199 = arith.addf %exp3A_96, %exp3A_102 : vector<16xf32>
      %add3A_200 = arith.addf %exp3A_108, %exp3A_114 : vector<16xf32>
      %add3A_201 = arith.addf %exp3A_120, %exp3A_126 : vector<16xf32>
      %add3A_202 = arith.addf %exp3A_132, %exp3A_138 : vector<16xf32>
      %add3A_203 = arith.addf %exp3A_144, %exp3A_150 : vector<16xf32>
      %add3A_204 = arith.addf %exp3A_156, %exp3A_162 : vector<16xf32>
      %add3A_205 = arith.addf %exp3A_168, %exp3A_174 : vector<16xf32>
      %add3A_206 = arith.addf %exp3A_180, %exp3A_186 : vector<16xf32>
      %add3A_207 = arith.addf %add3A_193, %add3A_194 : vector<16xf32>
      %add3A_208 = arith.addf %add3A_195, %add3A_196 : vector<16xf32>
      %add3A_209 = arith.addf %add3A_197, %add3A_198 : vector<16xf32>
      %add3A_210 = arith.addf %add3A_199, %add3A_200 : vector<16xf32>
      %add3A_211 = arith.addf %add3A_201, %add3A_202 : vector<16xf32>
      %add3A_212 = arith.addf %add3A_203, %add3A_204 : vector<16xf32>
      %add3A_213 = arith.addf %add3A_205, %add3A_206 : vector<16xf32>
      %add3A_214 = arith.addf %add3A_207, %add3A_208 : vector<16xf32>
      %add3A_215 = arith.addf %add3A_209, %add3A_210 : vector<16xf32>
      %add3A_216 = arith.addf %add3A_211, %add3A_212 : vector<16xf32>
      %add3A_217 = arith.addf %add3A_213, %exp3A_192 : vector<16xf32>
      %add3A_218 = arith.addf %add3A_214, %add3A_215 : vector<16xf32>
      %add3A_219 = arith.addf %add3A_216, %add3A_217 : vector<16xf32>
      %add3A_220 = arith.addf %add3A_218, %add3A_219 : vector<16xf32>
      %div3A = arith.constant 1.000000e+00 : f32
      %div3A_221 = vector.broadcast %div3A : f32 to vector<16xf32>
      %div3A_222 = arith.divf %div3A_221, %add3A_220 : vector<16xf32>
      %add3A_223 = arith.addf %exp3A_30, %exp3A_72 : vector<16xf32>
      %add3A_224 = arith.addf %add3A_223, %exp3A_78 : vector<16xf32>
      %add3A_225 = arith.addf %add3A_224, %exp3A_84 : vector<16xf32>
      %add3A_226 = arith.addf %add3A_225, %exp3A_90 : vector<16xf32>
      %add3A_227 = arith.addf %add3A_226, %exp3A_96 : vector<16xf32>
      %add3A_228 = arith.addf %add3A_227, %exp3A_102 : vector<16xf32>
      %add3A_229 = arith.constant 0 : i32
      %add3A_230 = arith.addi %mul3A_20, %add3A_229 : i32
      %add3A_231 = vector.broadcast %add3A_230 : i32 to vector<16xi32>
      %add3A_232 = arith.addi %mul3A_8, %add3A_231 : vector<16xi32>
      %mul3A_233 = arith.mulf %add3A_228, %div3A_222 : vector<16xf32>
      tpu.vector_store_idx %arg5[%add3A_232], %mul3A_233 : memref<14336xf32, #tpu.memory_space<vmem>>[vector<16xi32>], vector<16xf32>,
      %add3A_234 = arith.addf %exp3A_36, %exp3A_72 : vector<16xf32>
      %add3A_235 = arith.addf %add3A_234, %exp3A_108 : vector<16xf32>
      %add3A_236 = arith.addf %add3A_235, %exp3A_114 : vector<16xf32>
      %add3A_237 = arith.addf %add3A_236, %exp3A_120 : vector<16xf32>
      %add3A_238 = arith.addf %add3A_237, %exp3A_126 : vector<16xf32>
      %add3A_239 = arith.addf %add3A_238, %exp3A_132 : vector<16xf32>
      %add3A_240 = arith.constant 1 : i32
      %add3A_241 = arith.addi %mul3A_20, %add3A_240 : i32
      %add3A_242 = vector.broadcast %add3A_241 : i32 to vector<16xi32>
      %add3A_243 = arith.addi %mul3A_8, %add3A_242 : vector<16xi32>
      %mul3A_244 = arith.mulf %add3A_239, %div3A_222 : vector<16xf32>
      tpu.vector_store_idx %arg5[%add3A_243], %mul3A_244 : memref<14336xf32, #tpu.memory_space<vmem>>[vector<16xi32>], vector<16xf32>,
      %add3A_245 = arith.addf %exp3A_42, %exp3A_78 : vector<16xf32>
      %add3A_246 = arith.addf %add3A_245, %exp3A_108 : vector<16xf32>
      %add3A_247 = arith.addf %add3A_246, %exp3A_138 : vector<16xf32>
      %add3A_248 = arith.addf %add3A_247, %exp3A_144 : vector<16xf32>
      %add3A_249 = arith.addf %add3A_248, %exp3A_150 : vector<16xf32>
      %add3A_250 = arith.addf %add3A_249, %exp3A_156 : vector<16xf32>
      %add3A_251 = arith.constant 2 : i32
      %add3A_252 = arith.addi %mul3A_20, %add3A_251 : i32
      %add3A_253 = vector.broadcast %add3A_252 : i32 to vector<16xi32>
      %add3A_254 = arith.addi %mul3A_8, %add3A_253 : vector<16xi32>
      %mul3A_255 = arith.mulf %add3A_250, %div3A_222 : vector<16xf32>
      tpu.vector_store_idx %arg5[%add3A_254], %mul3A_255 : memref<14336xf32, #tpu.memory_space<vmem>>[vector<16xi32>], vector<16xf32>,
      %add3A_256 = arith.addf %exp3A_48, %exp3A_84 : vector<16xf32>
      %add3A_257 = arith.addf %add3A_256, %exp3A_114 : vector<16xf32>
      %add3A_258 = arith.addf %add3A_257, %exp3A_138 : vector<16xf32>
      %add3A_259 = arith.addf %add3A_258, %exp3A_162 : vector<16xf32>
      %add3A_260 = arith.addf %add3A_259, %exp3A_168 : vector<16xf32>
      %add3A_261 = arith.addf %add3A_260, %exp3A_174 : vector<16xf32>
      %add3A_262 = arith.constant 3 : i32
      %add3A_263 = arith.addi %mul3A_20, %add3A_262 : i32
      %add3A_264 = vector.broadcast %add3A_263 : i32 to vector<16xi32>
      %add3A_265 = arith.addi %mul3A_8, %add3A_264 : vector<16xi32>
      %mul3A_266 = arith.mulf %add3A_261, %div3A_222 : vector<16xf32>
      tpu.vector_store_idx %arg5[%add3A_265], %mul3A_266 : memref<14336xf32, #tpu.memory_space<vmem>>[vector<16xi32>], vector<16xf32>,
      %add3A_267 = arith.addf %exp3A_54, %exp3A_90 : vector<16xf32>
      %add3A_268 = arith.addf %add3A_267, %exp3A_120 : vector<16xf32>
      %add3A_269 = arith.addf %add3A_268, %exp3A_144 : vector<16xf32>
      %add3A_270 = arith.addf %add3A_269, %exp3A_162 : vector<16xf32>
      %add3A_271 = arith.addf %add3A_270, %exp3A_180 : vector<16xf32>
      %add3A_272 = arith.addf %add3A_271, %exp3A_186 : vector<16xf32>
      %add3A_273 = arith.constant 4 : i32
      %add3A_274 = arith.addi %mul3A_20, %add3A_273 : i32
      %add3A_275 = vector.broadcast %add3A_274 : i32 to vector<16xi32>
      %add3A_276 = arith.addi %mul3A_8, %add3A_275 : vector<16xi32>
      %mul3A_277 = arith.mulf %add3A_272, %div3A_222 : vector<16xf32>
      tpu.vector_store_idx %arg5[%add3A_276], %mul3A_277 : memref<14336xf32, #tpu.memory_space<vmem>>[vector<16xi32>], vector<16xf32>,
      %add3A_278 = arith.addf %exp3A_60, %exp3A_96 : vector<16xf32>
      %add3A_279 = arith.addf %add3A_278, %exp3A_126 : vector<16xf32>
      %add3A_280 = arith.addf %add3A_279, %exp3A_150 : vector<16xf32>
      %add3A_281 = arith.addf %add3A_280, %exp3A_168 : vector<16xf32>
      %add3A_282 = arith.addf %add3A_281, %exp3A_180 : vector<16xf32>
      %add3A_283 = arith.addf %add3A_282, %exp3A_192 : vector<16xf32>
      %add3A_284 = arith.constant 5 : i32
      %add3A_285 = arith.addi %mul3A_20, %add3A_284 : i32
      %add3A_286 = vector.broadcast %add3A_285 : i32 to vector<16xi32>
      %add3A_287 = arith.addi %mul3A_8, %add3A_286 : vector<16xi32>
      %mul3A_288 = arith.mulf %add3A_283, %div3A_222 : vector<16xf32>
      tpu.vector_store_idx %arg5[%add3A_287], %mul3A_288 : memref<14336xf32, #tpu.memory_space<vmem>>[vector<16xi32>], vector<16xf32>,
      %add3A_289 = arith.addf %exp3A_66, %exp3A_102 : vector<16xf32>
      %add3A_290 = arith.addf %add3A_289, %exp3A_132 : vector<16xf32>
      %add3A_291 = arith.addf %add3A_290, %exp3A_156 : vector<16xf32>
      %add3A_292 = arith.addf %add3A_291, %exp3A_174 : vector<16xf32>
      %add3A_293 = arith.addf %add3A_292, %exp3A_186 : vector<16xf32>
      %add3A_294 = arith.addf %add3A_293, %exp3A_192 : vector<16xf32>
      %add3A_295 = arith.constant 6 : i32
      %add3A_296 = arith.addi %mul3A_20, %add3A_295 : i32
      %add3A_297 = vector.broadcast %add3A_296 : i32 to vector<16xi32>
      %add3A_298 = arith.addi %mul3A_8, %add3A_297 : vector<16xi32>
      %mul3A_299 = arith.mulf %add3A_294, %div3A_222 : vector<16xf32>
      tpu.vector_store_idx %arg5[%add3A_298], %mul3A_299 : memref<14336xf32, #tpu.memory_space<vmem>>[vector<16xi32>], vector<16xf32>,
    }
    %scan3A_13 = arith.constant 128 : i32
    %mul3A_14 = arith.constant 14336 : i32
    %mul3A_15 = arith.muli %add3A, %mul3A_14 : i32
    "tpu.region"() ({
      %run_scoped3A = tpu.sem_alloc : memref<!tpu.dma_semaphore, #tpu.memory_space<semaphore_mem>>
      %dma_start3A = tpu.memref_slice %arg3[%mul3A_15] : memref<458752xf32, #tpu.memory_space<hbm>> -> memref<14336xf32, #tpu.memory_space<hbm>>
      %dma_start3A_16 = tpu.memref_slice %arg3[%mul3A_15] : memref<458752xf32, #tpu.memory_space<hbm>> -> memref<14336xf32, #tpu.memory_space<hbm>>
      tpu.enqueue_dma source(%arg5 : memref<14336xf32, #tpu.memory_space<vmem>>) target(%dma_start3A_16 : memref<14336xf32, #tpu.memory_space<hbm>>) target_semaphore(%run_scoped3A : memref<!tpu.dma_semaphore, #tpu.memory_space<semaphore_mem>>)
      %dma_wait3A = tpu.memref_slice %arg3[%mul3A_15] : memref<458752xf32, #tpu.memory_space<hbm>> -> memref<14336xf32, #tpu.memory_space<hbm>>
      %dma_wait3A_17 = tpu.memref_slice %arg3[%mul3A_15] : memref<458752xf32, #tpu.memory_space<hbm>> -> memref<14336xf32, #tpu.memory_space<hbm>>
      tpu.wait_dma2 semaphore(%run_scoped3A : memref<!tpu.dma_semaphore, #tpu.memory_space<semaphore_mem>>) src(%arg5 : memref<14336xf32, #tpu.memory_space<vmem>>) dst(%dma_wait3A_17 : memref<14336xf32, #tpu.memory_space<hbm>>)
      tpu.yield
    }) : () -> ()
    return
  }
}

</mosaic_0001>

<sc_bundles>
// kernel: kernel.3.cloned.1.call-start
scs
__scs_entry_jumppad:
0x0: {  	(pc) =	sbr.rel $0x88, $3  }
0x1: {  	(tag) =	ssettag $0x0;
	lr =	simm.s32 $0x1  }
0x2: {  	[smem:$0x3FA0] =	sst lr;
	_ =	strace $0xD0000000  }
0x3: {  	_ = 	snop  }
0x4: {  	_ = 	snop  }
0x5: {  	_ = 	snop  }
0x6: {  	_ = 	snop  }
0x7: {  	_ = 	snop  }
__scs_overlays_trampoline_lowered:
0x8: {  	[smem:$0x3FAF] =	sst s0  }
0x9: {  	[smem:$0x3FB0] =	sst s1  }
0xa: {  	[smem:$0x3FB1] =	sst s2  }
0xb: {  	[smem:$0x3FB2] =	sst s3  }
0xc: {  	[smem:$0x3FB3] =	sst s4  }
0xd: {  	[smem:$0x3FB4] =	sst s5  }
0xe: {  	[smem:$0x3FB5] =	sst s6  }
0xf: {  	[smem:$0x3FB6] =	sst s7  }
0x10: {  	[smem:$0x3FB7] =	sst s8  }
0x11: {  	[smem:$0x3FB8] =	sst s9;
	s0 =	simm.s32 @!p0 $0x0  }
0x12: {  	s1 =	sld [smem:$0x3F9E];
	s0 =	simm.s32 @p0 $0x1  }
0x13: {  	[smem:$0x3FB9] =	sst s0;
	s0 =	simm.s32 @!p1 $0x0  }
0x14: {  	s2 =	sld [smem:$0x3F9D];
	s0 =	simm.s32 @p1 $0x1  }
0x15: {  	[smem:$0x3FBA] =	sst s0;
	s0 =	simm.s32 @!p2 $0x0  }
0x16: {  	s3 =	sld [smem:$0x3FDB];
	s0 =	simm.s32 @p2 $0x1  }
0x17: {  	s4 =	simm.s32 $0x1BF5;
	[smem:$0x3FBC] =	sst s0  }
0x18: {  	s0 =	sld [smem:$0x3F9F];
	_ =	swait.ge [sflag:s4], $0x0  }
0x19: {  	s7 =	sld [smem:$0x3FA0]  }
0x1a: {  	s8 =	sadd.s32 $0xFFFFE003, lr  }
0x1b: {  	s9 =	sadd.s32 $0xFFFFFEF7, lr;
	s5 =	simm.s32 $0xFFFFFFFF;
	p2 =	slt.u32 s8, $0xFFFFF086  }
0x1c: {  	p1 =	slt.u32 s9, $0xF7A;
	s5 =	simm.s32 @!p2 $0x0  }
0x1d: {  	s5 =	simm.s32 @p1 $0x1;
	p0 =	seq.s32 s7, s2  }
0x1e: {  	s7 =	smul.u32 @!p0 $0xF7A, s2;
	p2 =	seq.s32 @!p0 s5, $0x0  }
0x1f: {  	s9 =	smul.u32 $0xF7A, s1;
	s8 =	simm.s32 @!p0 $0x1BF5;
	p2 =	por !p2, p0  }
0x20: {  	[sflag:s8] =	ssyncset.s32 @!p0 $0xFFFFF086;
	s6 =	sadd.s32 @!p0 s3, s7;
	s7 =	simm.s32 @!p0 $0x108  }
0x21: {  	s3 =	sadd.s32 s3, s9;
	s6 =	sadd.s32 @!p0 $0x88, s6;
	s7 =	simm.s32 @p2 $0x1082  }
0x22: {  	[simem:s7], [sflag:s8] =	dma.local @!p0 [hbm:s6], $0xF7A  }
0x23: {  	s9 =	sor.u32 $0xD0000000, s2;
	s6 =	simm.s32 $0x108;
	_ =	swait.ge @!p0 [sflag:s8], $0x0  }
0x24: {  	s3 =	sadd.s32 $0x88, s3;
	s6 =	simm.s32 @!p1 $0x1082;
	[sflag:s4] =	ssyncset.s32 $0xFFFFF086  }
0x25: {  	[simem:s6], [sflag:s4] =	dma.local [hbm:s3], $0xF7A  }
0x26: {  	[smem:$0x3FA0] =	sst s1;
	(tag) =	ssettag s2;
	_ =	strace s9  }
0x27: {  	s1 =	sld [smem:$0x3FB0]  }
0x28: {  	s2 =	sld [smem:$0x3FB1]  }
0x29: {  	s4 =	sld [smem:$0x3FB3]  }
0x2a: {  	p0 =	seq.s32 s5, $0x0;
	s5 =	sld [smem:$0x3FB4]  }
0x2b: {  	s6 =	sld [smem:$0x3FB5]  }
0x2c: {  	s7 =	sld [smem:$0x3FB6]  }
0x2d: {  	s3 =	simm.s32 $0x108;
	s8 =	sld [smem:$0x3FB7]  }
0x2e: {  	s3 =	simm.s32 @!p0 $0x1082;
	s9 =	sld [smem:$0x3FB8]  }
0x2f: {  	lr =	sadd.s32 s0, s3;
	s0 =	sld [smem:$0x3FAF]  }
0x30: {  	s3 =	sld [smem:$0x3FB2]  }
0x31: {  	[smem:$0x3FBB] =	sst s10  }
0x32: {  	s10 =	sld [smem:$0x3FB9];
	_ =	sdelay $0x3  }
0x33: {  	p0 =	seq.s32 s10, $0x1;
	s10 =	sld [smem:$0x3FBB];
	_ =	sdelay $0x3  }
0x34: {  	[smem:$0x3FBB] =	sst s10  }
0x35: {  	s10 =	sld [smem:$0x3FBA];
	_ =	sdelay $0x3  }
0x36: {  	p1 =	seq.s32 s10, $0x1;
	s10 =	sld [smem:$0x3FBB];
	_ =	sdelay $0x3  }
0x37: {  	[smem:$0x3FBB] =	sst s10  }
0x38: {  	s10 =	sld [smem:$0x3FBC]  }
0x39: {  	_ = 	snop;
	(pc) =	sbr.ind lr, $3  }
0x3a: {  	_ = 	snop  }
0x3b: {  	_ = 	snop  }
0x3c: {  	p2 =	seq.s32 s10, $0x1;
	s10 =	sld [smem:$0x3FBB]  }
0x3d: {  	_ =	shalt  }
0x3e: {  	_ =	shalt  }
0x3f: {  	_ =	shalt  }
0x40: {  	_ =	shalt  }
0x41: {  	_ =	shalt  }
0x42: {  	_ =	shalt  }
0x43: {  	_ =	shalt  }
0x44: {  	_ =	shalt  }
0x45: {  	_ =	shalt  }
0x46: {  	_ =	shalt  }
0x47: {  	_ =	shalt  }
0x48: {  	_ =	shalt  }
0x49: {  	_ =	shalt  }
0x4a: {  	_ =	shalt  }
0x4b: {  	_ =	shalt  }
0x4c: {  	_ =	shalt  }
0x4d: {  	_ =	shalt  }
0x4e: {  	_ =	shalt  }
0x4f: {  	_ =	shalt  }
0x50: {  	_ =	shalt  }
0x51: {  	_ =	shalt  }
0x52: {  	_ =	shalt  }
0x53: {  	_ =	shalt  }
0x54: {  	_ =	shalt  }
0x55: {  	_ =	shalt  }
0x56: {  	_ =	shalt  }
0x57: {  	_ =	shalt  }
0x58: {  	_ =	shalt  }
0x59: {  	_ =	shalt  }
0x5a: {  	_ =	shalt  }
0x5b: {  	_ =	shalt  }
0x5c: {  	_ =	shalt  }
0x5d: {  	_ =	shalt  }
0x5e: {  	_ =	shalt  }
0x5f: {  	_ =	shalt  }
0x60: {  	_ =	shalt  }
0x61: {  	_ =	shalt  }
0x62: {  	_ =	shalt  }
0x63: {  	_ =	shalt  }
0x64: {  	_ =	shalt  }
0x65: {  	_ =	shalt  }
0x66: {  	_ =	shalt  }
0x67: {  	_ =	shalt  }
0x68: {  	_ =	shalt  }
0x69: {  	_ =	shalt  }
0x6a: {  	_ =	shalt  }
0x6b: {  	_ =	shalt  }
0x6c: {  	_ =	shalt  }
0x6d: {  	_ =	shalt  }
0x6e: {  	_ =	shalt  }
0x6f: {  	_ =	shalt  }
0x70: {  	_ =	shalt  }
0x71: {  	_ =	shalt  }
0x72: {  	_ =	shalt  }
0x73: {  	_ =	shalt  }
0x74: {  	_ =	shalt  }
0x75: {  	_ =	shalt  }
0x76: {  	_ =	shalt  }
0x77: {  	_ =	shalt  }
0x78: {  	_ =	shalt  }
0x79: {  	_ =	shalt  }
0x7a: {  	_ =	shalt  }
0x7b: {  	_ =	shalt  }
0x7c: {  	_ =	shalt  }
0x7d: {  	_ =	shalt  }
0x7e: {  	_ =	shalt  }
0x7f: {  	_ =	shalt  }
0x80: {  	_ =	shalt  }
0x81: {  	_ =	shalt  }
0x82: {  	_ =	shalt  }
0x83: {  	_ =	shalt  }
0x84: {  	_ =	shalt  }
0x85: {  	_ =	shalt  }
0x86: {  	_ =	shalt  }
0x87: {  	_ =	shalt  }
.Lfunc_end0:
.L_simem_size_0:
called_computation_lowered:
.L_overlay_start_0:
0x88: {  	s2 =	sld [smem:$0x3FD9]  }
0x89: {  	s3 =	sld [smem:$0x3FFE];
	_ =	sdelay $0x1  }
0x8a: {  	s1 =	srdreg.scid  }
0x8b: {  	s0 =	sand.u32 $0x1, s1  }
0x8c: {  	s17 =	sshll.u32 s0, $0xA;
	s2 =	sadd.s32 s3, s2  }
0x8d: {  	s2 =	sadd.s32 s2, s17  }
0x8e: {  	[smem:$0x3FC7] =	sst s2  }
0x8f: {  	_ = 	snop  }
0x90: {  	s2 =	sld [smem:$0x3FD0];
	(tm) =	ssettm $0x1  }
0x91: {  	s18 =	sld [smem:$0x3FFB];
	_ =	sdelay $0x3  }
0x92: {  	_ =	strace s18  }
0x93: {  	s3 =	sld [smem:$0x3FFC];
	_ =	sdelay $0x3  }
0x94: {  	_ =	strace s3  }
0x95: {  	s3 =	sld [smem:$0x3FFD];
	_ =	sdelay $0x3  }
0x96: {  	_ =	strace s3  }
0x97: {  	_ =	strace $0x8FFFFFFF  }
0x98: {  	s19 =	sld [smem:$0x3FDB];
	_ =	sdelay $0x1  }
0x99: {  	s4 =	simm.s32 $_scs_section_size  }
0x9a: {  	s5 =	simm.s32 $_size__tile_overlayer_lowered;
	s6 =	simm.s32 $_tile_overlayer_lowered  }
0x9b: {  	s22 =	simm.s32 $0x1BFF;
	s21 =	sshll.u32 s6, $0x1;
	s3 =	sadd.s32 s4, s19  }
0x9c: {  	s7 =	simm.s32 $0x0;
	s20 =	sshll.u32 s5, $0x1;
	s5 =	sadd.s32 s21, s3  }
0x9d: {  	[timem:s7], [sflag:s22] =	dma.local [hbm:s5], s20  }
0x9e: {  	_ =	swait.ge [sflag:s22], s20  }
0x9f: {  	s4 =	ssub.s32 $0x0, s20;
	[sflag:s22] =	ssyncset.done $0x0  }
0xa0: {  	[sflag:s22] =	ssyncadd.s32 s4;
	_ =	sdelay $0x1  }
0xa1: {  	s23 =	simm.s32 $0x1B8B  }
0xa2: {  	_ =	swait.ge [sflag:s23], $0x1  }
0xa3: {  	[sflag:s23] =	ssyncset.done $0x0  }
0xa4: {  	s25 =	simm.s32 $0x1B8E;
	s24 =	sld [smem:$0x3FFE];
	[sflag:s23] =	ssyncadd.s32 $0xFFFFFFFF  }
0xa5: {  	s26 =	simm.s32 $execute0_lowered;
	[smem:$0x3FD2] =	sst s25  }
0xa6: {  	s5 =	sshll.u32 s26, $0x1;
	_ =	strace $0x80000046;
	[dreg:$0x1] =	wrdreg $0xFFFFFFFF  }
0xa7: {  	s28 =	simm.s32 $_size_execute0_lowered;
	s3 =	sadd.s32 s3, s5;
	[dreg:$0x0] =	wrdreg $0x0  }
0xa8: {  	s5 =	sshll.u32 s28, $0x1;
	[dreg:$0x2] =	wrdreg s3  }
0xa9: {  	[dreg:$0x3] =	wrdreg s5  }
0xaa: {  	[dreg:$0x4] =	wrdreg $0xC0  }
0xab: {  	_ =	task [dreg:s7], $0x5FFFF  }
0xac: {  	[dreg:$0x1] =	wrdreg $0xFFFFFFFF  }
0xad: {  	[dreg:$0x0] =	wrdreg $0x60  }
0xae: {  	[dreg:$0x2] =	wrdreg s24  }
0xaf: {  	[dreg:$0x3] =	wrdreg s2  }
0xb0: {  	[dreg:$0x4] =	wrdreg $0x9  }
0xb1: {  	_ =	task.clear_ibuf [dreg:s7], $0x5FFFF;
	_ =	strace $0x90000046  }
0xb2: {  	s29 =	simm.s32 $0x9;
	_ =	strace $0x80000048  }
0xb3: {  	_ =	swait.ge [sflag:s29], $0x1  }
0xb4: {  	[sflag:s29] =	ssyncadd.s32 $0xFFFFFFFF  }
0xb5: {  	_ =	strace $0x90000048  }
0xb6: {  	_ =	sfence  }
0xb7: {  	s30 =	sld [smem:$0x0];
	_ =	sdelay $0x2  }
0xb8: {  	s31 =	sshll.u32 s1, $0xD;
	s1 =	sshrl.u32 s1, $0x2  }
0xb9: {  	s3 =	sand.u32 $0x4000, s31;
	s1 =	sadd.s32 s1, s30  }
0xba: {  	s0 =	sor.u32 s3, s0;
	s1 =	sshll.u32 s1, $0x11  }
0xbb: {  	s0 =	sor.u32 s1, s0  }
0xbc: {  	s0 =	sadd.s32 $0x8F2B, s0  }
0xbd: {  	[sflag:s0] =	ssyncadd.remote.s32 $0x1  }
0xbe: {  	_ =	sfence.sel $0xFFFF  }
0xbf: {  	[dreg:$0x0] =	wrdreg $0xFFFFFFFF;
	(pc) =	sbr.abs _section_cstart, $3  }
0xc0: {  	[dreg:$0x1] =	wrdreg $0xFFFFFFFF  }
0xc1: {  	_ =	task.clear_ibuf [dreg:s7], $0x2FFFF;
	_ =	strace $0x9FFFFFFF  }
0xc2: {  	(tm) =	ssettm $0x7FFFFFFF  }
0xc3: {  	_ =	shalt  }
tec
execute0_lowered:
.L_overlay_start_1:
0x0: {  	(tag) =	ssettag $0x1  }
0x1: {  	s3 =	rddreg [dreg:$0x0]  }
0x2: {  	s1 =	srdreg.scid;
	s0 =	stileid.u32  }
0x3: {  	s4 =	rddreg [dreg:$0x1];
	s5 =	sand.u32 $0x1, s1;
	s2 =	sshll.u32 s0, $0x1  }
0x4: {  	s1 =	rddreg [dreg:$0x2];
	s6 =	sor.u32 s5, s2  }
0x5: {  	s2 =	simm.s32 $0x0;
	s5 =	ssub.s32 $0x2, s5;
	s7 =	smul.u32 $0x1D00, s6  }
0x6: {  	[smem:$0x7FF] =	sst s2;
	s8 =	sshrl.u32 s5, $0x1;
	s6 =	smul.u32 $0x700, s6  }
0x7: {  	_ =	strace $0x80000047;
	s5 =	ssub.s32 s5, s8;
	s8 =	simm.s32 $0x0  }
0x8: {  	v1 =	vlaneseq.u32;
	s3 =	sadd.s32 s7, s3;
	s4 =	sadd.s32 s4, s6;
	s5 =	smax.u32 s5, $0x1  }
0x9: {  	v0 =	vmul.u32 $0x1D, v1;
	v1 =	vmul.u32 $0x7, v1;
	s6 =	simm.s32 $0x1;
	s7 =	simm.s32 $0xE800;
	s3 =	sadd.s32 $0x100400, s3  }
.LBB2_1:
0xa: {  	[tilespmem:s2], [sflag:$0x1] =	stream.linear.gather [hbm4b:s3+s2], $0xE800, $0x38;
	[tilespmem:$0x12000] =	vst v63  }
0xb: {  	s9 =	simm.s32 $0x17  }
0xc: {  	s24 =	simm.s32 $0x15;
	v2 =	vadd.s32 s9, v0  }
0xd: {  	s10 =	simm.s32 $0x16;
	v3 =	vadd.s32 s24, v0  }
0xe: {  	s25 =	simm.s32 $0x11;
	_ =	swait.ge [sflag:s6], $0xE800;
	v4 =	vadd.s32 s10, v0  }
0xf: {  	s26 =	simm.s32 $0x14;
	v5 =	vadd.s32 s25, v0;
	[sflag:s6] =	ssyncset.done $0x0  }
0x10: {  	s28 =	simm.s32 $0x0;
	v6 =	vadd.s32 s26, v0;
	[sflag:s6] =	ssyncadd.s32 $0xFFFF1800  }
0x11: {  	s29 =	simm.s32 $0x13;
	v7 =	vadd.s32 s28, v0;
	v2 =	vld.idx.msk [tilespmem:v2+s2+$0x0], $0xffff  }
0x12: {  	s30 =	simm.s32 $0x12;
	v8 =	vadd.s32 s29, v0;
	v3 =	vld.idx.msk [tilespmem:v3+s2+$0x0], $0xffff  }
0x13: {  	s31 =	simm.s32 $0xF;
	v9 =	vadd.s32 s30, v0;
	v4 =	vld.idx.msk [tilespmem:v4+s2+$0x0], $0xffff  }
0x14: {  	s11 =	simm.s32 $0xD;
	v10 =	vadd.s32 s31, v0;
	v5 =	vld.idx.msk [tilespmem:v5+s2+$0x0], $0xffff  }
0x15: {  	s12 =	simm.s32 $0xE;
	v11 =	vadd.s32 s11, v0;
	v6 =	vld.idx.msk [tilespmem:v6+s2+$0x0], $0xffff  }
0x16: {  	s14 =	simm.s32 $0xB;
	v12 =	vadd.s32 s12, v0;
	v7 =	vld.idx.msk [tilespmem:v7+s2+$0x0], $0xffff  }
0x17: {  	s13 =	simm.s32 $0xA;
	v14 =	vadd.s32 s14, v0;
	v8 =	vld.idx.msk [tilespmem:v8+s2+$0x0], $0xffff  }
0x18: {  	s15 =	simm.s32 $0x9;
	v13 =	vadd.s32 s13, v0;
	v9 =	vld.idx.msk [tilespmem:v9+s2+$0x0], $0xffff;
	v3 =	vmul.f32 $1.442695020e+00, v3;
	v15 =	vmul.f32 $1.442695020e+00, v4  }
0x19: {  	s16 =	simm.s32 $0x7;
	v10 =	vld.idx.msk [tilespmem:v10+s2+$0x0], $0xffff;
	v2 =	vmul.f32 $1.442695020e+00, v2;
	v4 =	vadd.s32 s15, v0;
	v5 =	vmul.f32 $1.442695020e+00, v5  }
0x1a: {  	s17 =	simm.s32 $0x8;
	v11 =	vld.idx.msk [tilespmem:v11+s2+$0x0], $0xffff;
	v6 =	vmul.f32 $1.442695020e+00, v6;
	(erf) = vpow2.f32 v3;
	v3 =	vadd.s32 s16, v0  }
0x1b: {  	s25 =	simm.s32 $0x18;
	v12 =	vld.idx.msk [tilespmem:v12+s2+$0x0], $0xffff;
	v7 =	vmul.f32 $1.442695020e+00, v7;
	(erf) = vpow2.f32 v2;
	v2 =	vadd.s32 s17, v0  }
0x1c: {  	s18 =	simm.s32 $0x4;
	v18 =	vadd.s32 s25, v0;
	v14 =	vld.idx.msk [tilespmem:v14+s2+$0x0], $0xffff;
	v8 =	vmul.f32 $1.442695020e+00, v8;
	(erf) = vpow2.f32 v5  }
0x1d: {  	s19 =	simm.s32 $0x6;
	v13 =	vld.idx.msk [tilespmem:v13+s2+$0x0], $0xffff;
	v9 =	vmul.f32 $1.442695020e+00, v9;
	v5 =	vadd.s32 s18, v0;
	(erf) = vpow2.f32 v6  }
0x1e: {  	s20 =	simm.s32 $0x5;
	v10 =	vmul.f32 $1.442695020e+00, v10;
	v6 =	vadd.s32 s19, v0;
	v4 =	vld.idx.msk [tilespmem:v4+s2+$0x0], $0xffff;
	(erf) = vpow2.f32 v7  }
0x1f: {  	s22 =	simm.s32 $0xC;
	v7 =	vadd.s32 s20, v0;
	(erf) = vpow2.f32 v8;
	v16 =	vld.idx.msk [tilespmem:v3+s2+$0x0], $0xffff;
	v3 =	vmul.f32 $1.442695020e+00, v11  }
0x20: {  	s23 =	simm.s32 $0x2;
	(erf) = vpow2.f32 v9;
	v9 =	vadd.s32 s22, v0;
	v11 =	vld.idx.msk [tilespmem:v2+s2+$0x0], $0xffff;
	v2 =	vmul.f32 $1.442695020e+00, v12  }
0x21: {  	s21 =	simm.s32 $0x1;
	v18 =	vld.idx.msk [tilespmem:v18+s2+$0x0], $0xffff;
	v14 =	vmul.f32 $1.442695020e+00, v14;
	(erf) = vpow2.f32 v10;
	v10 =	vadd.s32 s23, v0  }
0x22: {  	s24 =	simm.s32 $0x3;
	v8 =	vadd.s32 s21, v0;
	v12 =	vmul.f32 $1.442695020e+00, v13;
	v5 =	vld.idx.msk [tilespmem:v5+s2+$0x0], $0xffff;
	(erf) = vpow2.f32 v3  }
0x23: {  	s29 =	simm.s32 $0x1A;
	v13 =	vadd.s32 s24, v0;
	v6 =	vld.idx.msk [tilespmem:v6+s2+$0x0], $0xffff;
	v4 =	vmul.f32 $1.442695020e+00, v4;
	(erf) = vpow2.f32 v2  }
0x24: {  	s26 =	simm.s32 $0x19;
	v19 =	vadd.s32 s29, v0;
	v17 =	vld.idx.msk [tilespmem:v7+s2+$0x0], $0xffff;
	v2 =	vpop (erf);
	(erf) = vpow2.f32 v12  }
0x25: {  	s28 =	simm.s32 $0x10;
	v12 =	vadd.s32 s26, v0;
	v7 =	vmul.f32 $1.442695020e+00, v16;
	v3 =	vpop (erf);
	(erf) = vpow2.f32 v14;
	v9 =	vld.idx.msk [tilespmem:v9+s2+$0x0], $0xffff  }
0x26: {  	v16 =	vadd.s32 s28, v0;
	v11 =	vmul.f32 $1.442695020e+00, v11;
	v14 =	vpop (erf);
	(erf) = vpow2.f32 v4;
	v10 =	vld.idx.msk [tilespmem:v10+s2+$0x0], $0xffff  }
0x27: {  	v8 =	vld.idx.msk [tilespmem:v8+s2+$0x0], $0xffff;
	v4 =	vpop (erf);
	(erf) = vpow2.f32 v7  }
0x28: {  	s30 =	simm.s32 $0x1B;
	v13 =	vld.idx.msk [tilespmem:v13+s2+$0x0], $0xffff;
	v5 =	vmul.f32 $1.442695020e+00, v5;
	v20 =	vpop (erf);
	(erf) = vpow2.f32 v11  }
0x29: {  	v19 =	vld.idx.msk [tilespmem:v19+s2+$0x0], $0xffff;
	v21 =	vmul.f32 $1.442695020e+00, v6;
	v11 =	vadd.s32 s30, v0;
	v7 =	vpop (erf);
	(erf) = vpow2.f32 v15  }
0x2a: {  	v17 =	vmul.f32 $1.442695020e+00, v17;
	v12 =	vld.idx.msk [tilespmem:v12+s2+$0x0], $0xffff;
	v6 =	vpop (erf);
	(erf) = vpow2.f32 v5  }
0x2b: {  	v15 =	vld.idx.msk [tilespmem:v16+s2+$0x0], $0xffff;
	v16 =	vmul.f32 $1.442695020e+00, v9;
	v22 =	vpop (erf);
	v9 =	vmul.f32 $1.442695020e+00, v10  }
0x2c: {  	v8 =	vmul.f32 $1.442695020e+00, v8;
	(erf) = vpow2.f32 v21;
	v5 =	vpop (erf)  }
0x2d: {  	v10 =	vmul.f32 $1.442695020e+00, v13;
	(erf) = vpow2.f32 v17;
	v21 =	vpop (erf)  }
0x2e: {  	s31 =	simm.s32 $0x1C;
	(erf) = vpow2.f32 v8;
	v11 =	vld.idx.msk [tilespmem:v11+s2+$0x0], $0xffff;
	v8 =	vmul.f32 $1.442695020e+00, v18;
	v23 =	vpop (erf)  }
0x2f: {  	v13 =	vadd.s32 s31, v0;
	v18 =	vmul.f32 $1.442695020e+00, v19;
	(erf) = vpow2.f32 v9;
	v9 =	vpop (erf)  }
0x30: {  	v25 =	vadd.f32 v7, v6;
	v12 =	vmul.f32 $1.442695020e+00, v12;
	(erf) = vpow2.f32 v16;
	v24 =	vpop (erf)  }
0x31: {  	v15 =	vmul.f32 $1.442695020e+00, v15;
	v26 =	vadd.f32 v22, v21;
	(erf) = vpow2.f32 v8;
	v17 =	vpop (erf)  }
0x32: {  	v16 =	vadd.f32 v2, v4;
	(erf) = vpow2.f32 v12;
	v19 =	vpop (erf);
	v12 =	vadd.f32 v5, v17  }
0x33: {  	(erf) = vpow2.f32 v15;
	v15 =	vadd.f32 v9, v23;
	v11 =	vmul.f32 $1.442695020e+00, v11;
	v8 =	vpop (erf)  }
0x34: {  	v13 =	vld.idx.msk [tilespmem:v13+s2+$0x0], $0xffff;
	(erf) = vpow2.f32 v18;
	v28 =	vadd.f32 v24, v19;
	v27 =	vpop (erf);
	v12 =	vadd.f32 v6, v12  }
0x35: {  	(erf) = vpow2.f32 v10;
	v18 =	vadd.f32 v3, v8;
	v29 =	vpop (erf);
	v30 =	vadd.f32 v23, v27  }
0x36: {  	(erf) = vpow2.f32 v11;
	v28 =	vadd.f32 v15, v28;
	v11 =	vadd.f32 v17, v29  }
0x37: {  	v31 =	vpop (erf);
	v10 =	vadd.f32 v8, v12;
	v32 =	vadd.f32 v18, v16  }
0x38: {  	v33 =	vadd.f32 v9, v31;
	v17 =	vadd.f32 v31, v27;
	v12 =	vpop (erf)  }
0x39: {  	v18 =	vadd.f32 v22, v30;
	v34 =	vpop (erf);
	v35 =	vadd.f32 v12, v20;
	v20 =	vmul.f32 $1.442695020e+00, v13  }
0x3a: {  	v57 =	vadd.f32 v19, v12;
	v11 =	vadd.f32 v11, v17;
	v13 =	vpop (erf)  }
0x3b: {  	v55 =	vadd.f32 v19, v34;
	v16 =	vpop (erf);
	v56 =	vadd.f32 v5, v13;
	(erf) = vpow2.f32 v20  }
0x3c: {  	v20 =	vadd.f32 v24, v57;
	v63 =	vadd.f32 v13, v29;
	v12 =	vpop (erf)  }
0x3d: {  	v27 =	vadd.f32 v21, v55;
	v36 =	vpop (erf);
	v37 =	vadd.f32 v12, v16  }
0x3e: {  	v20 =	vadd.f32 v23, v20;
	v26 =	vadd.f32 v26, v56;
	v17 =	vpop (erf)  }
0x3f: {  	v19 =	vadd.f32 v36, v33;
	v60 =	vadd.f32 v14, v36;
	v58 =	vpop (erf)  }
0x40: {  	v22 =	vadd.f32 v22, v27;
	v59 =	vadd.f32 v58, v34;
	v15 =	vpop (erf)  }
0x41: {  	v26 =	vadd.f32 v26, v28;
	v38 =	vadd.f32 v15, v17  }
0x42: {  	v24 =	vadd.f32 v24, v58;
	v23 =	vadd.f32 v59, v35  }
0x43: {  	v25 =	vadd.f32 v25, v60;
	v61 =	vadd.f32 v38, v37  }
0x44: {  	v22 =	vadd.f32 v36, v22;
	v23 =	vadd.f32 v11, v23;
	v11 =	vpop (erf)  }
0x45: {  	v25 =	vadd.f32 v32, v25;
	v62 =	vadd.f32 v61, v11  }
0x46: {  	v21 =	vadd.f32 v21, v24;
	v24 =	vadd.f32 v14, v63  }
0x47: {  	s14 =	simm.s32 $0x1;
	s13 =	simm.s32 $0x2;
	s11 =	simm.s32 $0x3;
	v23 =	vadd.f32 v26, v23;
	v25 =	vadd.f32 v62, v25  }
0x48: {  	s12 =	simm.s32 $0x4;
	s10 =	simm.s32 $0x5;
	s9 =	simm.s32 $0x6;
	v14 =	vadd.f32 v14, v22;
	v21 =	vadd.f32 v7, v21  }
0x49: {  	s15 =	simm.s32 $0x0;
	s16 =	simm.s32 $0x6;
	s17 =	simm.s32 $0x1EC;
	v22 =	vadd.f32 v2, v24;
	v23 =	vadd.f32 v25, v23  }
.LBB2_2:
0x4a: {  	p0 =	sne.s32 s17, $0xE64C  }
0x4b: {  	v9 =	vadd.f32 v9, v20;
	v7 =	vadd.f32 v7, v18;
	s16 =	sadd.s32 $0x70, s16;
	(erf) = vrcp.f32 v23;
	s18 =	smov.u32 s17;
	s17 =	sadd.s32 $0x1D0, s17  }
0x4c: {  	s19 =	sadd.s32 $0xFFFFFFFA, s16;
	s20 =	sadd.s32 $0xFFFFFFFB, s16;
	s21 =	sadd.s32 $0xFFFFFFFC, s16;
	v6 =	vadd.f32 v6, v14;
	v14 =	vadd.f32 v16, v22  }
0x4d: {  	v10 =	vadd.f32 v12, v10;
	s22 =	sadd.s32 $0xFFFFFFFD, s16;
	s23 =	sadd.s32 $0xFFFFFFFE, s16;
	s24 =	sadd.s32 $0xFFFFFFFF, s16;
	v7 =	vadd.f32 v3, v7  }
0x4e: {  	v18 =	vadd.f32 v4, v19;
	v14 =	vadd.f32 v17, v14  }
0x4f: {  	v10 =	vadd.f32 v15, v10;
	v7 =	vadd.f32 v16, v7  }
0x50: {  	v4 =	vadd.f32 v4, v21;
	v3 =	vadd.f32 v3, v18  }
0x51: {  	v9 =	vadd.f32 v13, v9;
	v7 =	vadd.f32 v12, v7  }
0x52: {  	v2 =	vadd.f32 v2, v4;
	v3 =	vadd.f32 v17, v3;
	v12 =	vadd.s32 s15, v1;
	s15 =	smov.u32 s19  }
0x53: {  	v4 =	vadd.f32 v5, v9;
	v9 =	vadd.s32 s14, v1;
	s14 =	smov.u32 s20;
	v5 =	vadd.f32 v11, v14  }
0x54: {  	v2 =	vadd.f32 v8, v2;
	v8 =	vadd.s32 s13, v1;
	s13 =	smov.u32 s21;
	v3 =	vadd.f32 v15, v3;
	v13 =	vpop (erf)  }
0x55: {  	v14 =	vadd.s32 s11, v1;
	s11 =	smov.u32 s22;
	v4 =	vmul.f32 v13, v4;
	v6 =	vmul.f32 v13, v6  }
0x56: {  	v15 =	vadd.s32 s12, v1;
	s12 =	smov.u32 s23;
	v7 =	vmul.f32 v13, v7;
	v3 =	vmul.f32 v13, v3  }
0x57: {  	s19 =	sadd.s32 $0xFFFFFFFD, s18;
	v2 =	vmul.f32 v13, v2;
	[tilespmem:v12+s7+$0x0] =	vst.idx.msk $0xffff, v4;
	v4 =	vadd.s32 s10, v1;
	v12 =	vmul.f32 v13, v5;
	s10 =	smov.u32 s24  }
0x58: {  	s20 =	sadd.s32 $0xFFFFFFFB, s18;
	v5 =	vadd.s32 s19, v0;
	[tilespmem:v9+s7+$0x0] =	vst.idx.msk $0xffff, v6;
	v6 =	vadd.s32 s9, v1;
	s9 =	smov.u32 s16  }
0x59: {  	s19 =	sadd.s32 $0xFFFFFFFA, s18;
	v9 =	vadd.s32 s20, v0;
	[tilespmem:v8+s7+$0x0] =	vst.idx.msk $0xffff, v2;
	v2 =	vadd.f32 v11, v10  }
0x5a: {  	s20 =	sadd.s32 $0xFFFFFFF9, s18;
	v8 =	vadd.s32 s19, v0;
	[tilespmem:v14+s7+$0x0] =	vst.idx.msk $0xffff, v7  }
0x5b: {  	s19 =	sadd.s32 $0xFFFFFFF8, s18;
	v7 =	vadd.s32 s20, v0;
	[tilespmem:v15+s7+$0x0] =	vst.idx.msk $0xffff, v3;
	v2 =	vmul.f32 v13, v2  }
0x5c: {  	s20 =	sadd.s32 $0xFFFFFFF5, s18;
	v3 =	vadd.s32 s19, v0;
	[tilespmem:v4+s7+$0x0] =	vst.idx.msk $0xffff, v12  }
0x5d: {  	s19 =	sadd.s32 $0xFFFFFFE4, s18;
	v4 =	vadd.s32 s20, v0;
	[tilespmem:v6+s7+$0x0] =	vst.idx.msk $0xffff, v2  }
0x5e: {  	v2 =	vadd.s32 s19, v0;
	s19 =	sadd.s32 $0xFFFFFFF7, s18;
	v6 =	vld.idx.msk [tilespmem:v9+s2+$0x0], $0xffff  }
0x5f: {  	s20 =	sadd.s32 $0xFFFFFFF6, s18;
	v9 =	vadd.s32 s19, v0;
	v8 =	vld.idx.msk [tilespmem:v8+s2+$0x0], $0xffff  }
0x60: {  	s21 =	sadd.s32 $0xFFFFFFF2, s18;
	s22 =	sadd.s32 $0xFFFFFFF3, s18;
	v10 =	vadd.s32 s20, v0;
	s19 =	sadd.s32 $0xFFFFFFF1, s18;
	v7 =	vld.idx.msk [tilespmem:v7+s2+$0x0], $0xffff  }
0x61: {  	s23 =	sadd.s32 $0xFFFFFFEF, s18;
	s24 =	sadd.s32 $0xFFFFFFF0, s18;
	v13 =	vadd.s32 s22, v0;
	v12 =	vadd.s32 s21, v0;
	s20 =	sadd.s32 $0xFFFFFFEE, s18;
	v11 =	vadd.s32 s19, v0;
	v3 =	vld.idx.msk [tilespmem:v3+s2+$0x0], $0xffff  }
0x62: {  	v16 =	vadd.s32 s24, v0;
	s22 =	sadd.s32 $0xFFFFFFED, s18;
	v15 =	vadd.s32 s23, v0;
	s21 =	sadd.s32 $0xFFFFFFEC, s18;
	v14 =	vadd.s32 s20, v0;
	s19 =	sadd.s32 $0xFFFFFFEB, s18;
	v4 =	vld.idx.msk [tilespmem:v4+s2+$0x0], $0xffff  }
0x63: {  	s24 =	sadd.s32 $0xFFFFFFEA, s18;
	s23 =	sadd.s32 $0xFFFFFFE9, s18;
	v18 =	vadd.s32 s21, v0;
	s20 =	sadd.s32 $0xFFFFFFE8, s18;
	v17 =	vadd.s32 s19, v0;
	v2 =	vld.idx.msk [tilespmem:v2+s2+$0x0], $0xffff  }
0x64: {  	s25 =	sadd.s32 $0xFFFFFFE7, s18;
	v21 =	vadd.s32 s24, v0;
	v20 =	vadd.s32 s23, v0;
	s21 =	sadd.s32 $0xFFFFFFE6, s18;
	v19 =	vadd.s32 s20, v0;
	s19 =	sadd.s32 $0xFFFFFFE5, s18;
	v9 =	vld.idx.msk [tilespmem:v9+s2+$0x0], $0xffff  }
0x65: {  	v23 =	vadd.s32 s25, v0;
	v22 =	vadd.s32 s19, v0;
	v10 =	vld.idx.msk [tilespmem:v10+s2+$0x0], $0xffff  }
0x66: {  	v24 =	vadd.s32 s22, v0;
	v8 =	vmul.f32 $1.442695020e+00, v8;
	v7 =	vmul.f32 $1.442695020e+00, v7;
	v13 =	vld.idx.msk [tilespmem:v13+s2+$0x0], $0xffff  }
0x67: {  	v6 =	vmul.f32 $1.442695020e+00, v6;
	v3 =	vmul.f32 $1.442695020e+00, v3;
	v11 =	vld.idx.msk [tilespmem:v11+s2+$0x0], $0xffff  }
0x68: {  	v4 =	vmul.f32 $1.442695020e+00, v4;
	v12 =	vld.idx.msk [tilespmem:v12+s2+$0x0], $0xffff;
	(erf) = vpow2.f32 v7  }
0x69: {  	v2 =	vmul.f32 $1.442695020e+00, v2;
	v7 =	vld.idx.msk [tilespmem:v14+s2+$0x0], $0xffff;
	(erf) = vpow2.f32 v6  }
0x6a: {  	v9 =	vmul.f32 $1.442695020e+00, v9;
	v6 =	vld.idx.msk [tilespmem:v15+s2+$0x0], $0xffff;
	(erf) = vpow2.f32 v4  }
0x6b: {  	v10 =	vmul.f32 $1.442695020e+00, v10;
	v4 =	vld.idx.msk [tilespmem:v24+s2+$0x0], $0xffff;
	(erf) = vpow2.f32 v3  }
0x6c: {  	v13 =	vmul.f32 $1.442695020e+00, v13;
	v3 =	vld.idx.msk [tilespmem:v17+s2+$0x0], $0xffff;
	(erf) = vpow2.f32 v2  }
0x6d: {  	v2 =	vmul.f32 $1.442695020e+00, v11;
	v14 =	vld.idx.msk [tilespmem:v18+s2+$0x0], $0xffff;
	(erf) = vpow2.f32 v9  }
0x6e: {  	v11 =	vmul.f32 $1.442695020e+00, v12;
	v9 =	vld.idx.msk [tilespmem:v19+s2+$0x0], $0xffff;
	(erf) = vpow2.f32 v10  }
0x6f: {  	s19 =	sadd.s32 $0xFFFFFFF4, s18;
	v10 =	vadd.s32 s21, v0;
	v7 =	vmul.f32 $1.442695020e+00, v7;
	v12 =	vld.idx.msk [tilespmem:v21+s2+$0x0], $0xffff;
	(erf) = vpow2.f32 v13  }
0x70: {  	v15 =	vadd.s32 s19, v0;
	s19 =	sadd.s32 $0xFFFFFFFC, s18;
	v6 =	vmul.f32 $1.442695020e+00, v6;
	v13 =	vld.idx.msk [tilespmem:v20+s2+$0x0], $0xffff;
	(erf) = vpow2.f32 v2  }
0x71: {  	v18 =	vadd.s32 s19, v0;
	v21 =	vmul.f32 $1.442695020e+00, v4;
	v17 =	vld.idx.msk [tilespmem:v22+s2+$0x0], $0xffff;
	(erf) = vpow2.f32 v11;
	v2 =	vpop (erf)  }
0x72: {  	v11 =	vmul.f32 $1.442695020e+00, v3;
	v16 =	vld.idx.msk [tilespmem:v16+s2+$0x0], $0xffff;
	(erf) = vpow2.f32 v7;
	v3 =	vpop (erf)  }
0x73: {  	s19 =	sadd.s32 $0xFFFFFFFE, s18;
	v19 =	vld.idx.msk [tilespmem:v23+s2+$0x0], $0xffff;
	v23 =	vmul.f32 $1.442695020e+00, v14;
	(erf) = vpow2.f32 v6;
	v14 =	vpop (erf)  }
0x74: {  	v20 =	vadd.s32 s19, v0;
	s19 =	sadd.s32 $0xFFFFFFFF, s18;
	v9 =	vmul.f32 $1.442695020e+00, v9;
	v10 =	vld.idx.msk [tilespmem:v10+s2+$0x0], $0xffff;
	(erf) = vpow2.f32 v21;
	v4 =	vpop (erf)  }
0x75: {  	v12 =	vmul.f32 $1.442695020e+00, v12;
	v21 =	vadd.s32 s19, v0;
	v15 =	vld.idx.msk [tilespmem:v15+s2+$0x0], $0xffff;
	v22 =	vpop (erf);
	(erf) = vpow2.f32 v11  }
0x76: {  	v11 =	vmul.f32 $1.442695020e+00, v13;
	v13 =	vld.idx.msk [tilespmem:v18+s2+$0x0], $0xffff;
	v18 =	vadd.f32 v2, v4;
	(erf) = vpow2.f32 v23;
	v7 =	vpop (erf)  }
0x77: {  	v17 =	vmul.f32 $1.442695020e+00, v17;
	v23 =	vld.idx.msk [tilespmem:v5+s2+$0x0], $0xffff;
	v6 =	vpop (erf);
	(erf) = vpow2.f32 v8  }
0x78: {  	v8 =	vmul.f32 $1.442695020e+00, v16;
	v24 =	vadd.f32 v7, v6;
	(erf) = vpow2.f32 v9;
	v25 =	vpop (erf)  }
0x79: {  	v16 =	vmul.f32 $1.442695020e+00, v19;
	v19 =	vld.idx.msk [tilespmem:v20+s2+$0x0], $0xffff;
	(erf) = vpow2.f32 v12;
	v5 =	vpop (erf)  }
0x7a: {  	v27 =	vmul.f32 $1.442695020e+00, v10;
	v12 =	vadd.s32 s18, v0;
	v10 =	vld.idx.msk [tilespmem:v21+s2+$0x0], $0xffff;
	(erf) = vpow2.f32 v11;
	v21 =	vpop (erf)  }
0x7b: {  	v11 =	vmul.f32 $1.442695020e+00, v15;
	v26 =	vadd.f32 v25, v21;
	(erf) = vpow2.f32 v17;
	v20 =	vpop (erf)  }
0x7c: {  	v13 =	vmul.f32 $1.442695020e+00, v13;
	(erf) = vpow2.f32 v27;
	v9 =	vpop (erf)  }
0x7d: {  	v15 =	vmul.f32 $1.442695020e+00, v23;
	v17 =	vadd.f32 v9, v20;
	v23 =	vpop (erf);
	(erf) = vpow2.f32 v8  }
0x7e: {  	v27 =	vpop (erf);
	(erf) = vpow2.f32 v13  }
0x7f: {  	v13 =	vmul.f32 $1.442695020e+00, v19;
	v19 =	vadd.f32 v5, v27;
	v28 =	vpop (erf);
	(erf) = vpow2.f32 v15  }
0x80: {  	v15 =	vmul.f32 $1.442695020e+00, v10;
	v12 =	vld.idx.msk [tilespmem:v12+s2+$0x0], $0xffff;
	v29 =	vadd.f32 v23, v28;
	(erf) = vpow2.f32 v11;
	v8 =	vpop (erf)  }
0x81: {  	v10 =	vadd.f32 v6, v19;
	v11 =	vpop (erf);
	(erf) = vpow2.f32 v13  }
0x82: {  	v13 =	vadd.f32 v3, v8;
	v19 =	vadd.f32 v20, v11;
	(erf) = vpow2.f32 v16;
	v30 =	vpop (erf)  }
0x83: {  	v27 =	vadd.f32 v27, v30;
	v10 =	vadd.f32 v8, v10;
	v16 =	vpop (erf);
	(erf) = vpow2.f32 v15  }
0x84: {  	v31 =	vadd.f32 v13, v18;
	v15 =	vadd.f32 v9, v16;
	v32 =	vpop (erf)  }
0x85: {  	v11 =	vadd.f32 v16, v11;
	v22 =	vadd.f32 v32, v22;
	v33 =	vpop (erf)  }
0x86: {  	v18 =	vadd.f32 v25, v19;
	v37 =	vmul.f32 $1.442695020e+00, v12;
	v36 =	vadd.f32 v28, v33;
	v13 =	vpop (erf)  }
0x87: {  	v28 =	vadd.f32 v28, v32;
	v35 =	vadd.f32 v5, v13;
	v16 =	vpop (erf)  }
0x88: {  	v11 =	vadd.f32 v27, v11;
	v27 =	vadd.f32 v21, v36;
	v12 =	vpop (erf);
	(erf) = vpow2.f32 v37  }
0x89: {  	v32 =	vadd.f32 v12, v16;
	v34 =	vpop (erf)  }
0x8a: {  	v29 =	vadd.f32 v17, v29;
	v19 =	vadd.f32 v34, v15;
	v17 =	vpop (erf)  }
0x8b: {  	v28 =	vadd.f32 v23, v28;
	v36 =	vpop (erf)  }
0x8c: {  	v37 =	vadd.f32 v14, v34;
	v33 =	vadd.f32 v36, v33;
	v15 =	vpop (erf)  }
0x8d: {  	v20 =	vadd.f32 v20, v28;
	v38 =	vadd.f32 v15, v17  }
0x8e: {  	v23 =	vadd.f32 v23, v36;
	v22 =	vadd.f32 v33, v22  }
0x8f: {  	v26 =	vadd.f32 v26, v35;
	v24 =	vadd.f32 v24, v37  }
0x90: {  	v28 =	vadd.f32 v38, v32;
	v22 =	vadd.f32 v11, v22  }
0x91: {  	v25 =	vadd.f32 v25, v27;
	v26 =	vadd.f32 v26, v29;
	v11 =	vpop (erf)  }
0x92: {  	v24 =	vadd.f32 v31, v24;
	v27 =	vadd.f32 v28, v11  }
.Ltmp0:
0x93: {  	v21 =	vadd.f32 v21, v23;
	v23 =	vadd.f32 v13, v30;
	(pc) =	sbr.rel @p0 .LBB2_2-.Ltmp0, $4  }
0x94: {  	v22 =	vadd.f32 v26, v22;
	v24 =	vadd.f32 v27, v24  }
0x95: {  	v25 =	vadd.f32 v34, v25;
	v26 =	vadd.f32 v14, v23  }
0x96: {  	v21 =	vadd.f32 v7, v21;
	v23 =	vadd.f32 v24, v22  }
0x97: {  	v14 =	vadd.f32 v14, v25;
	v22 =	vadd.f32 v2, v26  }
0x98: {  	(erf) = vrcp.f32 v23;
	_ =	sdelay $0x2  }
0x99: {  	v9 =	vadd.f32 v9, v20;
	v7 =	vadd.f32 v7, v18  }
0x9a: {  	v10 =	vadd.f32 v12, v10;
	v50 =	vadd.f32 v4, v19  }
0x9b: {  	v51 =	vadd.f32 v4, v21;
	v52 =	vadd.s32 s15, v1;
	v6 =	vadd.f32 v6, v14  }
0x9c: {  	v54 =	vadd.s32 s14, v1;
	v49 =	vadd.f32 v16, v22;
	v9 =	vadd.f32 v13, v9  }
0x9d: {  	v56 =	vadd.s32 s13, v1;
	v7 =	vadd.f32 v3, v7;
	v3 =	vadd.f32 v3, v50  }
0x9e: {  	v58 =	vadd.s32 s11, v1;
	v2 =	vadd.f32 v2, v51;
	v53 =	vadd.f32 v5, v9  }
0x9f: {  	v59 =	vadd.s32 s12, v1;
	v55 =	vadd.f32 v15, v10;
	v7 =	vadd.f32 v16, v7;
	v57 =	vpop (erf)  }
0xa0: {  	v3 =	vadd.f32 v17, v3;
	v2 =	vadd.f32 v8, v2;
	v4 =	vmul.f32 v57, v53  }
0xa1: {  	v14 =	vadd.f32 v17, v49;
	v7 =	vadd.f32 v12, v7;
	v6 =	vmul.f32 v57, v6  }
0xa2: {  	v60 =	vadd.s32 s10, v1;
	v3 =	vadd.f32 v15, v3;
	v2 =	vmul.f32 v57, v2;
	[tilespmem:v52+s7+$0x0] =	vst.idx.msk $0xffff, v4  }
0xa3: {  	v62 =	vadd.s32 s9, v1;
	v61 =	vadd.f32 v11, v14;
	v7 =	vmul.f32 v57, v7;
	[tilespmem:v54+s7+$0x0] =	vst.idx.msk $0xffff, v6  }
0xa4: {  	v3 =	vmul.f32 v57, v3;
	[tilespmem:v56+s7+$0x0] =	vst.idx.msk $0xffff, v2;
	v2 =	vadd.f32 v11, v55  }
0xa5: {  	v63 =	vmul.f32 v57, v61;
	[tilespmem:v58+s7+$0x0] =	vst.idx.msk $0xffff, v7  }
0xa6: {  	s8 =	sadd.s32 $0x1, s8;
	[tilespmem:v59+s7+$0x0] =	vst.idx.msk $0xffff, v3;
	v2 =	vmul.f32 v57, v2  }
0xa7: {  	p0 =	sne.s32 s8, s5;
	[tilespmem:v60+s7+$0x0] =	vst.idx.msk $0xffff, v63  }
.Ltmp1:
0xa8: {  	[tilespmem:v62+s7+$0x0] =	vst.idx.msk $0xffff, v2;
	(pc) =	sbr.rel @p0 .LBB2_1-.Ltmp1, $4  }
0xa9: {  	[hbm4b:s4+s2] =	stream.linear.scatter [tilespmem:s7], [sflag:$0x1], $0x3800, $0x38;
	[tilespmem:$0x12000] =	vst v63  }
0xaa: {  	_ =	swait.ge [sflag:s6], $0x3800  }
0xab: {  	[sflag:s6] =	ssyncset.done $0x0  }
0xac: {  	[sflag:s6] =	ssyncadd.s32 $0xFFFFC800  }
0xad: {  	_ =	sfence.sel $0x180000  }
0xae: {  	[bflag:$0x0] =	sbarrier.arrive $0xFFFF  }
0xaf: {  	p0 =	sne.s32 s0, $0x0;
	_ =	strace $0x90000047  }
0xb0: {  	s0 =	sadd.s32 @!p0 $0x100000, s1;
	[bflag:$0x2] =	sbarrier.arrive $0xFFFF  }
0xb1: {  	[sflag:s0] =	ssyncadd.tile.s32 @!p0 $0x1;
	_ =	shalt  }
.Lfunc_end2:
_tile_overlayer_lowered:
.L_overlay_start_2:
0xb2: {  	(tag) =	ssettag $0x2  }
0xb3: {  	s0 =	rddreg [dreg:$0x0];
	s2 =	stileid.u32  }
0xb4: {  	s1 =	rddreg [dreg:$0x1];
	p0 =	sne.s32 s2, $0x0  }
0xb5: {  	s3 =	rddreg [dreg:$0x2];
	[bflag:$0x3] =	sbarrier.arrive $0xFFFF;
	s2 =	simm.s32 @!p0 $0x1C01  }
0xb6: {  	[timem:s3], [sflag:s2] =	dma.local @!p0 [hbm:s0], s1  }
0xb7: {  	s0 =	simm.s32 @!p0 $0x1  }
0xb8: {  	_ =	swait.ge @!p0 [sflag:s0], s1  }
0xb9: {  	s1 =	ssub.s32 @!p0 $0x0, s1;
	[sflag:s0] =	ssyncset.done @!p0 $0x0  }
0xba: {  	[sflag:s0] =	ssyncadd.s32 @!p0 s1  }
0xbb: {  	[bflag:$0x3] =	sbarrier.arrive $0xFFFF  }
0xbc: {  	_ =	shalt  }

</sc_bundles>
